<compile_context>
chip_gen: v7x
topology: tpu7x:2x2x1
jax: 0.10.2.dev20260603
libtpu: 0.0.44.dev20260713+nightly
codegen_flags: <defaults>
</compile_context>

<pallas_src>
import jax
import jax.numpy as jnp
from jax import lax
from jax.experimental import pallas as pl

_NUM_TAGS = 64
_HIGH = 5.0
_LOW = -5.0

_B, _S, _K = 256, 40, 30
_KP, _LP = 32, 128
_NPAIR = _B * _S
_G = 512
_NSTEP = _NPAIR // _G


def _score_expand_body(labels_ref, out_ref):
    labs = labels_ref[...]
    labs_pad = jnp.concatenate([labs, labs[:, : _KP - _K]], axis=1)
    tags = lax.broadcasted_iota(jnp.int32, (_G, _KP, _LP), 2)
    out_ref[...] = jnp.where(
        tags == labs_pad[:, :, None], _HIGH, _LOW
    )


_score_expand = pl.pallas_call(
    _score_expand_body,
    out_shape=jax.ShapeDtypeStruct((_NPAIR, _KP, _LP), jnp.float32),
    grid=(_NSTEP,),
    in_specs=[pl.BlockSpec((_G, _K), lambda i: (i, 0))],
    out_specs=pl.BlockSpec((_G, _KP, _LP), lambda i: (i, 0, 0)),
)


def kernel(arg_labels):
    labels = arg_labels.astype(jnp.int32).reshape(_NPAIR, _K)
    out = _score_expand(labels)
    out = out[:, :_K, :_NUM_TAGS]
    return out.reshape(_B, _S, _K, _NUM_TAGS)

# --- scband reference (transcript-rebuilt; emitter-appended) ---
"""Pipeline reference for scband-argument-scorer-gold-14439680049696 (READ-ONLY COPY).

The authoritative reference and input builder live on the scoring server;
editing this copy changes nothing except your own understanding.
"""

import jax, jax.numpy as jnp
import numpy as np

NUM_TAGS = 64
LOW_VAL = -5
HIGH_VAL = 5

def setup_inputs(seed: int = 0) -> dict:
    key = jax.random.key(seed)
    arg_labels = jax.random.randint(key, (256, 40, 30), 0, NUM_TAGS, dtype=jnp.int64)
    return {"arg_labels": arg_labels}

def reference(arg_labels):
    # one_hot(labels, num_tags, low_val, high_val):
    # correct tag position gets high_val, all others get low_val.
    oh = jax.nn.one_hot(arg_labels, NUM_TAGS, dtype=jnp.float32)
    arg_scores = oh * float(HIGH_VAL) + (1.0 - oh) * float(LOW_VAL)
    return arg_scores.astype(jnp.float32)

if __name__ == "__main__":
    import jax
    _d = setup_inputs()
    print(jax.jit(kernel)(*tuple(_d.values())))

</pallas_src>

<mosaic_0001>
module attributes {stable_mosaic.version = 14 : i64} {
  func.func @_score_expand_body(%arg0: i32, %arg1: memref<512x30xi32, #tpu.memory_space<vmem>>, %arg2: memref<512x32x128xf32, #tpu.memory_space<vmem>>) attributes {dimension_semantics = [#tpu.dimension_semantics<arbitrary>], iteration_bounds = array<i64: 20>, scalar_prefetch = 0 : i64, scratch_operands = 0 : i64, tpu.core_type = #tpu.core_type<tc>, window_params = [{transform_indices = @transform_0, window_bounds = array<i64: 512, 30>}, {transform_indices = @transform_1, window_bounds = array<i64: 512, 32, 128>}]} {
    %get3A = arith.constant 0 : index
    %get3A_0 = arith.constant 0 : index
    %get3A_1 = vector.load %arg1[%get3A, %get3A_0] : memref<512x30xi32, #tpu.memory_space<vmem>>, vector<512x30xi32>
    %slice3A = vector.extract_strided_slice %get3A_1 {offsets = [0, 0], sizes = [512, 2], strides = [1, 1]} : vector<512x30xi32> to vector<512x2xi32>
    %concatenate3A = tpu.concatenate %get3A_1, %slice3A in 1 : vector<512x30xi32>, vector<512x2xi32> -> vector<512x32xi32>
    %iota3A = tpu.iota {dimensions = array<i32: 2>} : vector<512x32x128xi32>
    %broadcast_in_dim3A = vector.shape_cast %concatenate3A : vector<512x32xi32> to vector<512x32x1xi32>
    %eq3A = vector.broadcast %broadcast_in_dim3A : vector<512x32x1xi32> to vector<512x32x128xi32>
    %eq3A_2 = arith.cmpi eq, %iota3A, %eq3A : vector<512x32x128xi32>
    %jit3A = arith.constant 5.000000e+00 : f32
    %jit3A_3 = arith.constant -5.000000e+00 : f32
    %broadcast_in_dim3A_4 = vector.broadcast %jit3A : f32 to vector<512x32x128xf32>
    %broadcast_in_dim3A_5 = vector.broadcast %jit3A_3 : f32 to vector<512x32x128xf32>
    %select_n3A = arith.select %eq3A_2, %broadcast_in_dim3A_4, %broadcast_in_dim3A_5 : vector<512x32x128xi1>, vector<512x32x128xf32>
    %swap3A = arith.constant 0 : index
    %swap3A_6 = arith.constant 0 : index
    %swap3A_7 = arith.constant 0 : index
    %swap3A_8 = vector.load %arg2[%swap3A, %swap3A_6, %swap3A_7] : memref<512x32x128xf32, #tpu.memory_space<vmem>>, vector<512x32x128xf32>
    tpu.vector_store %arg2[%swap3A, %swap3A_6, %swap3A_7], %select_n3A {strides = array<i32>} : memref<512x32x128xf32, #tpu.memory_space<vmem>>, vector<512x32x128xf32>,
    return
  }
  func.func @transform_0(%arg0: i32) -> (i32, i32) {
    %c0_i32 = arith.constant 0 : i32
    %c0_i32_0 = arith.constant 0 : i32
    return %arg0, %c0_i32 : i32, i32
  }
  func.func @transform_1(%arg0: i32) -> (i32, i32, i32) {
    %c0_i32 = arith.constant 0 : i32
    %c0_i32_0 = arith.constant 0 : i32
    %c0_i32_1 = arith.constant 0 : i32
    return %arg0, %c0_i32, %c0_i32_0 : i32, i32, i32
  }
}

</mosaic_0001>

<sc_bundles>
// kernel: sparse-core-data-format-call.cloned.1.call-start
scs
called_computation_lowered:
.L_overlay_start_0:
0x0: {  	s2 =	sld [smem:$0x3FD9]  }
0x1: {  	s3 =	sld [smem:$0x3FFE];
	_ =	sdelay $0x1  }
0x2: {  	s1 =	srdreg.scid  }
0x3: {  	s0 =	sand.u32 $0x1, s1  }
0x4: {  	s18 =	sshll.u32 s0, $0xA;
	s2 =	sadd.s32 s3, s2  }
0x5: {  	s2 =	sadd.s32 s2, s18  }
0x6: {  	[smem:$0x3FC7] =	sst s2  }
0x7: {  	_ = 	snop  }
0x8: {  	s2 =	sld [smem:$0x3FD0];
	(tm) =	ssettm $0x1  }
0x9: {  	s19 =	sld [smem:$0x3FFB];
	_ =	sdelay $0x3  }
0xa: {  	_ =	strace s19  }
0xb: {  	s3 =	sld [smem:$0x3FFC];
	_ =	sdelay $0x3  }
0xc: {  	_ =	strace s3  }
0xd: {  	s3 =	sld [smem:$0x3FFD];
	_ =	sdelay $0x3  }
0xe: {  	_ =	strace s3  }
0xf: {  	_ =	strace $0x8FFFFFFF  }
0x10: {  	s20 =	sld [smem:$0x3FDB];
	_ =	sdelay $0x1  }
0x11: {  	s4 =	simm.s32 $_scs_section_size  }
0x12: {  	s5 =	simm.s32 $_size__tile_overlayer_lowered;
	s6 =	simm.s32 $_tile_overlayer_lowered  }
0x13: {  	s23 =	simm.s32 $0x1BFF;
	s22 =	sshll.u32 s6, $0x1;
	s3 =	sadd.s32 s4, s20  }
0x14: {  	s7 =	simm.s32 $0x0;
	s21 =	sshll.u32 s5, $0x1;
	s5 =	sadd.s32 s22, s3  }
0x15: {  	[timem:s7], [sflag:s23] =	dma.local [hbm:s5], s21  }
0x16: {  	_ =	swait.ge [sflag:s23], s21  }
0x17: {  	s4 =	ssub.s32 $0x0, s21;
	[sflag:s23] =	ssyncset.done $0x0  }
0x18: {  	[sflag:s23] =	ssyncadd.s32 s4;
	_ =	sdelay $0x1  }
0x19: {  	s24 =	simm.s32 $0x1B8B  }
0x1a: {  	_ =	swait.ge [sflag:s24], $0x1  }
0x1b: {  	[sflag:s24] =	ssyncset.done $0x0  }
0x1c: {  	s26 =	simm.s32 $0x1B8E;
	s25 =	sld [smem:$0x3FFE];
	[sflag:s24] =	ssyncadd.s32 $0xFFFFFFFF  }
0x1d: {  	s27 =	simm.s32 $execute0_lowered;
	[smem:$0x3FD2] =	sst s26  }
0x1e: {  	s5 =	sshll.u32 s27, $0x1;
	_ =	strace $0x80000046;
	[dreg:$0x1] =	wrdreg $0xFFFFFFFF  }
0x1f: {  	s28 =	simm.s32 $_size_execute0_lowered;
	s3 =	sadd.s32 s3, s5;
	[dreg:$0x0] =	wrdreg $0x0  }
0x20: {  	s5 =	sshll.u32 s28, $0x1;
	[dreg:$0x2] =	wrdreg s3  }
0x21: {  	[dreg:$0x3] =	wrdreg s5  }
0x22: {  	[dreg:$0x4] =	wrdreg $0xC0  }
0x23: {  	_ =	task [dreg:s7], $0x5FFFF  }
0x24: {  	[dreg:$0x1] =	wrdreg $0xFFFFFFFF  }
0x25: {  	[dreg:$0x0] =	wrdreg $0x60  }
0x26: {  	[dreg:$0x2] =	wrdreg s25  }
0x27: {  	[dreg:$0x3] =	wrdreg s2  }
0x28: {  	[dreg:$0x4] =	wrdreg $0x9  }
0x29: {  	_ =	task.clear_ibuf [dreg:s7], $0x5FFFF;
	_ =	strace $0x90000046  }
0x2a: {  	s29 =	simm.s32 $0x9;
	_ =	strace $0x80000048  }
0x2b: {  	_ =	swait.ge [sflag:s29], $0x1  }
0x2c: {  	[sflag:s29] =	ssyncadd.s32 $0xFFFFFFFF  }
0x2d: {  	_ =	strace $0x90000048  }
0x2e: {  	_ =	sfence  }
0x2f: {  	s30 =	sld [smem:$0x0];
	_ =	sdelay $0x2  }
0x30: {  	s31 =	sshll.u32 s1, $0xD;
	s1 =	sshrl.u32 s1, $0x2  }
0x31: {  	s3 =	sand.u32 $0x4000, s31;
	s1 =	sadd.s32 s1, s30  }
0x32: {  	s0 =	sor.u32 s3, s0;
	s1 =	sshll.u32 s1, $0x11  }
0x33: {  	s0 =	sor.u32 s1, s0  }
0x34: {  	s0 =	sadd.s32 $0x8F2B, s0  }
0x35: {  	[sflag:s0] =	ssyncadd.remote.s32 $0x1  }
0x36: {  	_ =	sfence.sel $0xFFFF  }
0x37: {  	[dreg:$0x0] =	wrdreg $0xFFFFFFFF;
	(pc) =	sbr.abs _section_cstart, $3  }
0x38: {  	[dreg:$0x1] =	wrdreg $0xFFFFFFFF  }
0x39: {  	_ =	task.clear_ibuf [dreg:s7], $0x2FFFF;
	_ =	strace $0x9FFFFFFF  }
0x3a: {  	(tm) =	ssettm $0x7FFFFFFF  }
0x3b: {  	_ =	shalt  }
tec
execute0_lowered:
.L_overlay_start_1:
0x0: {  	(tag) =	ssettag $0x1  }
0x1: {  	s0 =	stileid.u32;
	s1 =	srdreg.scid  }
0x2: {  	s1 =	sshll.u32 s1, $0x4;
	s2 =	sshll.u32 s0, $0x7  }
0x3: {  	s7 =	rddreg [dreg:$0x0];
	s3 =	sand.u32 $0x10, s1;
	s1 =	sand.u32 $0x80, s2  }
0x4: {  	s8 =	simm.s32 $0x2;
	s30 =	sor.u32 s0, s3;
	s4 =	ssub.s32 $0x100, s1  }
0x5: {  	s14 =	simm.s32 $0x0;
	s3 =	sshrl.u32 s30, $0x1;
	s31 =	sshrl.u32 s4, $0x7  }
0x6: {  	s4 =	sshrl.u32 s4, $0x8;
	s2 =	sand.u32 $0x1, s31;
	s5 =	ssub.s32 $0x2D, s3  }
0x7: {  	p0 =	por $0x0, $0x0;
	s2 =	sadd.s32 s4, s2;
	s5 =	sshrl.u32 s5, $0x4  }
0x8: {  	s9 =	simm.s32 $0x800;
	s16 =	simm.s32 $0x0;
	s6 =	smul.u32 s5, s2  }
.Ltmp0:
0x9: {  	s15 =	simm.s32 $0x0;
	s4 =	rddreg [dreg:$0x1];
	(pc) =	sbr.rel .LBB1_1-.Ltmp0, $4  }
0xa: {  	s11 =	simm.s32 $0x0;
	s13 =	simm.s32 $0x0;
	s2 =	rddreg [dreg:$0x2]  }
0xb: {  	_ =	strace $0x80000047;
	s5 =	simm.s32 $0x1;
	s6 =	smul.u32 $0x28, s6  }
0xc: {  	s7 =	sadd.s32 $0x400, s7;
	s12 =	smov.u32 s1;
	[sflag:s5] =	ssyncpa.u1 $0x0  }
0xd: {  	s10 =	smov.u32 s3;
	[sflag:s8] =	ssyncpa.u1 $0x0;
	s8 =	sor.u32 $0x1, s6  }
.LBB1_4:
0xe: {  	s19 =	sand.u32 $0x780, s15;
	s16 =	smul.u32 $0xF000, s16  }
0xf: {  	s20 =	sshrl.u32 s15, $0x3;
	s19 =	sadd.s32 s4, s19  }
0x10: {  	[tilespmem:s18+$0x810 ss:$0x81] =	vst.msk $0xffff, v2;
	s31 =	sand.u32 $0x7, s15;
	s20 =	sand.u32 $0xF, s20;
	s16 =	sadd.s32 s16, s19  }
0x11: {  	[tilespmem:s18+$0x1020 ss:$0x81] =	vst.msk $0xffff, v0;
	s14 =	sshll.u32 s14, $0xB;
	s15 =	sshll.u32 s31, $0x12;
	s16 =	sadd.s32 s20, s16  }
0x12: {  	[tilespmem:s18+$0x0 ss:$0x81] =	vst.msk $0xffff, v1;
	s15 =	sor.u32 $0x400, s15;
	s14 =	sadd.s32 s14, s16  }
0x13: {  	[hbm4b:s14+s15] =	stream.strided.scatter [tilespmem:s17], [sflag:$0x2], $0x2000, s9, s15, $0x20;
	[tilespmem:$0x8080] =	vst v63  }
.LBB1_5:
0x14: {  	s17 =	sadd.s32 $0x10, s10  }
0x15: {  	s14 =	simm.s32 $0x1;
	p2 =	sgt.s32 s17, $0x1D  }
0x16: {  	s14 =	simm.s32 @!p2 $0x0  }
0x17: {  	s18 =	sadd.s32 s14, s11  }
0x18: {  	s20 =	smov.u32 s12;
	s14 =	sadd.s32 $0x100, s12;
	p3 =	sgt.s32 s18, $0x27  }
0x19: {  	s20 =	smov.u32 @p3 s14  }
0x1a: {  	p1 =	slt.u32 s13, $0x2;
	s17 =	smov.u32 @p2 s3;
	p2 =	sgt.s32 s20, $0xFF  }
0x1b: {  	s19 =	simm.s32 @!p1 $0x2;
	s20 =	smov.u32 @p2 s1;
	p2 =	sne.s32 s13, s8  }
.Ltmp1:
0x1c: {  	_ =	swait.ge @!p1 [sflag:s19], $0x2000;
	(pc) =	sbr.rel @!p2 .LBB1_6-.Ltmp1, $4  }
0x1d: {  	s16 =	smov.u32 s11;
	[sflag:s19] =	ssyncset.done @!p1 $0x0  }
0x1e: {  	s15 =	smov.u32 s12;
	p0 =	por !p0, !p0;
	[sflag:s19] =	ssyncadd.s32 @!p1 $0xFFFFE000  }
0x1f: {  	s18 =	simm.s32 @p3 $0x0;
	s14 =	smov.u32 s10;
	s10 =	smov.u32 s17  }
0x20: {  	s11 =	smov.u32 s18;
	s13 =	sadd.s32 $0x1, s13;
	s12 =	smov.u32 s20  }
.LBB1_1:
0x21: {  	p1 =	sge.u32 s13, s6  }
0x22: {  	s18 =	smul.u32 @!p1 $0x5000, s12  }
0x23: {  	s31 =	sadd.s32 $0xFFFFFFFF, s13;
	s17 =	sxor.u32 @!p1 $0xFFFFFFFF, s13;
	s19 =	sshll.u32 @!p1 s11, $0x9  }
0x24: {  	s20 =	sshll.u32 @!p1 s10, $0x4;
	s17 =	sshll.u32 @!p1 s17, $0xD;
	s18 =	sadd.s32 @!p1 s7, s18  }
0x25: {  	s20 =	sand.u32 @!p1 $0x1F0, s20;
	s17 =	sand.u32 @!p1 $0x2000, s17;
	s18 =	sadd.s32 @!p1 s19, s18  }
0x26: {  	s19 =	simm.s32 @!p1 $0x40;
	s18 =	sadd.s32 @!p1 s20, s18;
	s20 =	simm.s32 @!p1 $0x28000  }
0x27: {  	[tilespmem:s17], [sflag:$0x1] =	stream.strided.gather @!p1 [hbm4b:s18+s19], $0x2000, s20, s19, $0x38;
	[tilespmem:$0x8080] =	vst v63  }
0x28: {  	p1 =	sge.u32 s31, s6  }
.Ltmp2:
0x29: {  	_ = 	snop;
	(pc) =	sbr.rel @p1 .LBB1_5-.Ltmp2, $1  }
0x2a: {  	_ =	sdelay $0x3  }
0x2b: {  	s17 =	simm.s32 $0x1  }
0x2c: {  	_ =	swait.ge [sflag:s5], $0x2000;
	s17 =	simm.s32 @!p0 $0x0  }
0x2d: {  	[sflag:s5] =	ssyncset.done $0x0;
	s18 =	sshll.u32 s17, $0xD  }
0x2e: {  	[sflag:s5] =	ssyncadd.s32 $0xFFFFE000;
	s21 =	sor.u32 $0x20, s18  }
0x2f: {  	s17 =	smul.u32 $0x8100, s17;
	v3 =	vld [tilespmem:s21+$0x10]  }
0x30: {  	s30 =	sand.u32 $0x1, s13;
	v2 =	vld [tilespmem:s21+$0xFFFFFFF0]  }
0x31: {  	s18 =	smul.u32 $0x8100, s30;
	s17 =	sshrl.u32 s17, $0x2;
	v0 =	vld [tilespmem:s21+$0x0]  }
0x32: {  	v1 =	vld [tilespmem:s21+$0xFFFFFFE0];
	s19 =	sor.u32 $0x4000, s17  }
0x33: {  	s31 =	sshrl.u32 s18, $0x2;
	s18 =	sadd.s32 $0x0, s19  }
0x34: {  	s20 =	simm.s32 $0x4;
	s21 =	sadd.s32 $0x40, s21;
	s17 =	sor.u32 $0x4000, s31;
	[tilespmem:s18+$0x1830 ss:$0x81] =	vst.msk $0xffff, v3  }
.LBB1_3:
0x35: {  	v3 =	vld [tilespmem:s21+$0x10];
	p1 =	sne.s32 s20, $0x1FC;
	[tilespmem:s18+$0x810 ss:$0x81] =	vst.msk $0xffff, v2;
	s22 =	smov.u32 s20;
	s20 =	sadd.s32 $0x4, s20  }
.Ltmp3:
0x36: {  	v2 =	vld [tilespmem:s21+$0xFFFFFFF0];
	[tilespmem:s18+$0x1020 ss:$0x81] =	vst.msk $0xffff, v0;
	(pc) =	sbr.rel @p1 .LBB1_3-.Ltmp3, $4  }
0x37: {  	v0 =	vld [tilespmem:s21+$0x0];
	[tilespmem:s18+$0x0 ss:$0x81] =	vst.msk $0xffff, v1  }
0x38: {  	s18 =	sshra.s32 s22, $0x2;
	v1 =	vld [tilespmem:s21+$0xFFFFFFE0]  }
0x39: {  	s18 =	sadd.s32 s18, s19  }
0x3a: {  	s21 =	sadd.s32 $0x40, s21;
	[tilespmem:s18+$0x1830 ss:$0x81] =	vst.msk $0xffff, v3  }
.Ltmp4:
0x3b: {  	_ = 	snop;
	(pc) =	sbr.rel .LBB1_4-.Ltmp4, $1  }
0x3c: {  	_ =	sdelay $0x3  }
.LBB1_6:
0x3d: {  	_ =	sfence.sel $0x180000  }
0x3e: {  	s1 =	simm.s32 $0x1;
	[bflag:$0x0] =	sbarrier.arrive $0xFFFF  }
0x3f: {  	s31 =	simm.s32 $0x2;
	[sflag:s1] =	ssyncpa.u1 $0x1  }
0x40: {  	[sflag:s31] =	ssyncpa.u1 $0x1  }
0x41: {  	p0 =	sne.s32 s0, $0x0;
	_ =	strace $0x90000047  }
0x42: {  	s0 =	sadd.s32 @!p0 $0x100000, s2;
	[bflag:$0x2] =	sbarrier.arrive $0xFFFF  }
0x43: {  	[sflag:s0] =	ssyncadd.tile.s32 @!p0 $0x1;
	_ =	shalt  }
.Lfunc_end1:
_tile_overlayer_lowered:
.L_overlay_start_2:
0x44: {  	(tag) =	ssettag $0x2  }
0x45: {  	s0 =	rddreg [dreg:$0x0];
	s2 =	stileid.u32  }
0x46: {  	s1 =	rddreg [dreg:$0x1];
	p0 =	sne.s32 s2, $0x0  }
0x47: {  	s3 =	rddreg [dreg:$0x2];
	[bflag:$0x3] =	sbarrier.arrive $0xFFFF;
	s2 =	simm.s32 @!p0 $0x1C01  }
0x48: {  	[timem:s3], [sflag:s2] =	dma.local @!p0 [hbm:s0], s1  }
0x49: {  	s0 =	simm.s32 @!p0 $0x1  }
0x4a: {  	_ =	swait.ge @!p0 [sflag:s0], s1  }
0x4b: {  	s1 =	ssub.s32 @!p0 $0x0, s1;
	[sflag:s0] =	ssyncset.done @!p0 $0x0  }
0x4c: {  	[sflag:s0] =	ssyncadd.s32 @!p0 s1  }
0x4d: {  	[bflag:$0x3] =	sbarrier.arrive $0xFFFF  }
0x4e: {  	_ =	shalt  }

</sc_bundles>
